<compile_context>
chip_gen: v7x
topology: tpu7x:2x2x1
jax: 0.10.2.dev20260603
libtpu: 0.0.44.dev20260713+nightly
codegen_flags: <defaults>
</compile_context>

<pallas_src>
import functools

import jax
import jax.numpy as jnp
from jax import lax
from jax.experimental import pallas as pl
from jax.experimental.pallas import tpu as pltpu
from jax.experimental.pallas import tpu_sc as plsc

NSEG = 64


def _pick_tile(E):
    for t in (4000, 3200, 2560, 2000, 1600, 1280, 1000, 800, 640, 500, 320, 200, 160, 8):
        if E % t == 0:
            return t
    return E


def _wts_body(segc_ref, ea_ref, u_ref, V0a, V0b, c0, V1, c1,
              wts_ref, m_ref, s_ref):
    f32 = jnp.float32
    bf16 = jnp.bfloat16
    tile = segc_ref.shape[0]

    segc = segc_ref[...]
    mask = lax.broadcasted_iota(jnp.int32, (tile, NSEG), 1) == segc
    maskf = mask.astype(f32)

    small = jnp.concatenate([ea_ref[...].astype(bf16), mask.astype(bf16)], axis=1)
    uV = jnp.dot(u_ref[...], V0b[...], preferred_element_type=f32)
    Vsmall = jnp.concatenate([V0a[...].astype(bf16), uV.astype(bf16)], axis=0)

    wh = jax.nn.relu(jnp.dot(small, Vsmall, preferred_element_type=f32) + c0[...])
    dn_row = (((0,), (1,)), ((), ()))
    wts_row = lax.dot_general(V1[...].astype(bf16), wh.astype(bf16), dn_row,
                              preferred_element_type=f32) + c1[0, 0]
    wts_ref[0] = wts_row

    m_tile = jnp.max(wts_row)
    ex_row = jnp.exp(wts_row - m_tile)
    dn_seg = (((1,), (0,)), ((), ()))
    s_row = lax.dot_general(ex_row, maskf, dn_seg, preferred_element_type=f32)
    m_ref[0] = jnp.broadcast_to(m_tile, (1, 1))
    s_ref[0] = s_row


def _combine_body(ms_ref, sp_ref, m16_ref, s_ref):
    f32 = jnp.float32
    ms = ms_ref[...]
    m_glob = jnp.max(ms)
    scale = jnp.exp(ms - m_glob)
    dn = (((0,), (0,)), ((), ()))
    s_ref[...] = lax.dot_general(scale, sp_ref[...], dn, preferred_element_type=f32)
    m16_ref[...] = jnp.broadcast_to(m_glob, (1, 16))


def _mlp_body(segc_ref, src_ref, dest_ref, ea_ref, u_ref,
              W0a, W0b, W0c, W0d, b0, W1, b1, W2, b2, out_ref):
    f32 = jnp.float32
    bf16 = jnp.bfloat16
    tile = segc_ref.shape[0]

    segc = segc_ref[...]
    mask = lax.broadcasted_iota(jnp.int32, (tile, NSEG), 1) == segc

    small = jnp.concatenate([ea_ref[...].astype(bf16), mask.astype(bf16)], axis=1)
    uW = jnp.dot(u_ref[...], W0d[...], preferred_element_type=f32)
    Wsmall = jnp.concatenate([W0c[...].astype(bf16), uW.astype(bf16)], axis=0)

    h = jnp.dot(src_ref[...].astype(bf16), W0a[...].astype(bf16),
                preferred_element_type=f32)
    h = h + jnp.dot(dest_ref[...].astype(bf16), W0b[...].astype(bf16),
                    preferred_element_type=f32)
    h = h + jnp.dot(small, Wsmall, preferred_element_type=f32)
    h = jax.nn.relu(h + b0[...])
    h = jax.nn.relu(jnp.dot(h.astype(bf16), W1[...].astype(bf16),
                            preferred_element_type=f32) + b1[...])
    out_ref[...] = jnp.dot(h.astype(bf16), W2[...].astype(bf16),
                           preferred_element_type=f32) + b2[...]


def _sc_normalize(wts_flat, seg_flat, s64, m16, E, nw, nc, chunk):
    f32 = jnp.float32

    def body(wts_hbm, seg_hbm, s_hbm, m_hbm, out_hbm,
             w_v, seg_v, o_v, sgat_v, m_v, sem):
        wid = lax.axis_index("s") * nc + lax.axis_index("c")
        base = wid * chunk
        pltpu.sync_copy(wts_hbm.at[pl.ds(base, chunk)], w_v)
        pltpu.sync_copy(seg_hbm.at[pl.ds(base, chunk)], seg_v)
        pltpu.sync_copy(m_hbm, m_v)
        pltpu.sync_copy(wts_hbm.at[pl.ds(base, chunk)], sgat_v)
        mvec = m_v[...]

        def step(i, carry):
            sl = pl.ds(i * 16, 16)
            o_v[sl] = jnp.exp(w_v[sl] - mvec) / sgat_v[sl]
            return carry

        lax.fori_loop(0, chunk // 16, step, 0)
        pltpu.sync_copy(o_v, out_hbm.at[pl.ds(base, chunk)])

    mesh = plsc.VectorSubcoreMesh(core_axis_name="c", subcore_axis_name="s")
    k = functools.partial(
        pl.kernel, mesh=mesh,
        out_type=jax.ShapeDtypeStruct((E,), f32),
        scratch_types=[
            pltpu.VMEM((chunk,), f32),
            pltpu.VMEM((chunk,), jnp.int32),
            pltpu.VMEM((chunk,), f32),
            pltpu.VMEM((chunk,), f32),
            pltpu.VMEM((16,), f32),
            pltpu.SemaphoreType.DMA,
        ],
    )(body)
    return k(wts_flat, seg_flat, s64, m16)


def kernel(src, dest, edge_attr, u, edge_batch, W0, b0, W1, b1, W2, b2, V0, c0, V1, c1):
    E, node_dim = src.shape
    edge_dim = edge_attr.shape[1]
    global_dim = u.shape[1]
    hidden = W1.shape[0]
    out_dim = W2.shape[1]
    f32 = jnp.float32

    T = _pick_tile(E)
    nb = E // T
    seg_i32 = edge_batch.astype(jnp.int32)
    seg_col = seg_i32.reshape(E, 1)

    W0a = W0[:node_dim]
    W0b = W0[node_dim:2 * node_dim]
    W0c = W0[2 * node_dim:2 * node_dim + edge_dim]
    W0d = W0[2 * node_dim + edge_dim:]
    V0a = V0[:edge_dim]
    V0b = V0[edge_dim:]
    b0r = b0.reshape(1, hidden)
    b1r = b1.reshape(1, hidden)
    b2r = b2.reshape(1, out_dim)
    c0r = c0.reshape(1, hidden)
    c1r = c1.reshape(1, 1)

    full = lambda shape: pl.BlockSpec(shape, lambda i: (0,) * len(shape))
    row_spec = pl.BlockSpec((1, 1, T), lambda i: (i, 0, 0))
    col_spec = pl.BlockSpec((T, 1), lambda i: (i, 0))

    wts_rows, ms, sp = pl.pallas_call(
        _wts_body,
        grid=(nb,),
        in_specs=[
            col_spec,
            pl.BlockSpec((T, edge_dim), lambda i: (i, 0)),
            full((NSEG, global_dim)),
            full((edge_dim, hidden)),
            full((global_dim, hidden)),
            full((1, hidden)),
            full((hidden, 1)),
            full((1, 1)),
        ],
        out_specs=[
            row_spec,
            pl.BlockSpec((1, 1, 1), lambda i: (i, 0, 0)),
            pl.BlockSpec((1, 1, NSEG), lambda i: (i, 0, 0)),
        ],
        out_shape=[
            jax.ShapeDtypeStruct((nb, 1, T), f32),
            jax.ShapeDtypeStruct((nb, 1, 1), f32),
            jax.ShapeDtypeStruct((nb, 1, NSEG), f32),
        ],
        compiler_params=pltpu.CompilerParams(
            dimension_semantics=("parallel",)),
    )(seg_col, edge_attr, u, V0a, V0b, c0r, V1, c1r)

    m16, s64 = pl.pallas_call(
        _combine_body,
        grid=(1,),
        in_specs=[full((nb, 1)), full((nb, NSEG))],
        out_specs=[full((1, 16)), full((1, NSEG))],
        out_shape=[
            jax.ShapeDtypeStruct((1, 16), f32),
            jax.ShapeDtypeStruct((1, NSEG), f32),
        ],
    )(ms.reshape(nb, 1), sp.reshape(nb, NSEG))

    info = plsc.get_sparse_core_info()
    nc, ns = info.num_cores, info.num_subcores
    nw = nc * ns
    wts_flat = wts_rows.reshape(E)
    pad = (-E) % (nw * 16)
    Ep = E + pad
    if pad:
        wts_p = jnp.pad(wts_flat, (0, pad))
        seg_p = jnp.pad(seg_i32, (0, pad))
    else:
        wts_p, seg_p = wts_flat, seg_i32
    norm_flat = _sc_normalize(wts_p, seg_p, s64.reshape(NSEG), m16.reshape(16),
                              Ep, nw, nc, Ep // nw)

    out = pl.pallas_call(
        _mlp_body,
        grid=(nb,),
        in_specs=[
            col_spec,
            pl.BlockSpec((T, node_dim), lambda i: (i, 0)),
            pl.BlockSpec((T, node_dim), lambda i: (i, 0)),
            pl.BlockSpec((T, edge_dim), lambda i: (i, 0)),
            full((NSEG, global_dim)),
            full((node_dim, hidden)),
            full((node_dim, hidden)),
            full((edge_dim, hidden)),
            full((global_dim, hidden)),
            full((1, hidden)),
            full((hidden, hidden)),
            full((1, hidden)),
            full((hidden, out_dim)),
            full((1, out_dim)),
        ],
        out_specs=pl.BlockSpec((T, out_dim), lambda i: (i, 0)),
        out_shape=jax.ShapeDtypeStruct((E, out_dim), f32),
        compiler_params=pltpu.CompilerParams(
            dimension_semantics=("parallel",)),
    )(seg_col, src, dest, edge_attr, u, W0a, W0b, W0c, W0d, b0r,
      W1, b1r, W2, b2r)

    return (out, norm_flat[:E].reshape(E, 1), wts_flat.reshape(E, 1))

# --- scband reference (transcript-rebuilt; emitter-appended) ---
"""Pipeline reference for scband-edge-v1-model-28484223107666 (READ-ONLY COPY).

The authoritative reference and input builder live on the scoring server;
editing this copy changes nothing except your own understanding.
"""

import jax, jax.numpy as jnp
import numpy as np

NUM_GRAPHS = 64

def _mlp(x, Ws, bs):
    # hidden layers with ReLU, final layer linear (dropout inactive at eval)
    h = x
    for i in range(len(Ws) - 1):
        h = jax.nn.relu(h @ Ws[i] + bs[i])
    return h @ Ws[-1] + bs[-1]

def _scatter_softmax(x, seg, num_segments):
    seg_max = jax.ops.segment_max(x, seg, num_segments=num_segments)
    ex = jnp.exp(x - seg_max[seg])
    denom = jax.ops.segment_sum(ex, seg, num_segments=num_segments)
    return ex / denom[seg]

def setup_inputs(seed: int = 0) -> dict:
    key = jax.random.key(seed)
    ks = jax.random.split(key, 16)
    E = 320000
    node_dim, edge_dim, global_dim, hidden_dim, edge_out_dim = 128, 16, 32, 128, 16
    src = jax.random.normal(ks[0], (E, node_dim), dtype=jnp.float32)
    dest = jax.random.normal(ks[1], (E, node_dim), dtype=jnp.float32)
    edge_attr = jax.random.normal(ks[2], (E, edge_dim), dtype=jnp.float32)
    u = jax.random.normal(ks[3], (NUM_GRAPHS, global_dim), dtype=jnp.float32)
    edge_batch = jnp.sort(jax.random.randint(ks[4], (E,), 0, NUM_GRAPHS, dtype=jnp.int32)).astype(jnp.int64)
    in_dim = 2 * node_dim + edge_dim + global_dim  # 304
    s = 0.05
    # EdgeModel MLP: num_layers=2 hidden layers + output layer
    W0 = jax.random.normal(ks[5], (in_dim, hidden_dim), dtype=jnp.float32) * s
    b0 = jnp.zeros((hidden_dim,), dtype=jnp.float32)
    W1 = jax.random.normal(ks[6], (hidden_dim, hidden_dim), dtype=jnp.float32) * s
    b1 = jnp.zeros((hidden_dim,), dtype=jnp.float32)
    W2 = jax.random.normal(ks[7], (hidden_dim, edge_out_dim), dtype=jnp.float32) * s
    b2 = jnp.zeros((edge_out_dim,), dtype=jnp.float32)
    # weight_mlp: MLP(edge_dim + global_dim -> hidden -> 1), num_layers=1
    V0 = jax.random.normal(ks[8], (edge_dim + global_dim, hidden_dim), dtype=jnp.float32) * s
    c0 = jnp.zeros((hidden_dim,), dtype=jnp.float32)
    V1 = jax.random.normal(ks[9], (hidden_dim, 1), dtype=jnp.float32) * s
    c1 = jnp.zeros((1,), dtype=jnp.float32)
    return {"src": src, "dest": dest, "edge_attr": edge_attr, "u": u, "edge_batch": edge_batch,
            "W0": W0, "b0": b0, "W1": W1, "b1": b1, "W2": W2, "b2": b2,
            "V0": V0, "c0": c0, "V1": V1, "c1": c1}

def reference(src, dest, edge_attr, u, edge_batch, W0, b0, W1, b1, W2, b2, V0, c0, V1, c1):
    u_e = jnp.take(u, edge_batch, axis=0)  # gather global features per edge
    # EdgeModel: MLP over concatenated [src, dest, edge_attr, u[edge_batch]]
    ecat = jnp.concatenate([src, dest, edge_attr, u_e], axis=1)
    out = _mlp(ecat, [W0, W1, W2], [b0, b1, b2])
    # weight branch
    out_1 = jnp.concatenate([edge_attr, u_e], axis=1)
    wts = _mlp(out_1, [V0, V1], [c0, c1])  # [E, 1]
    unnormalized_wts = wts
    nw = _scatter_softmax(jnp.squeeze(wts, axis=1), edge_batch, NUM_GRAPHS)
    normalized_wts = nw[:, None]
    return (out, normalized_wts, unnormalized_wts)

if __name__ == "__main__":
    import jax
    _d = setup_inputs()
    print(jax.jit(kernel)(*tuple(_d.values())))

</pallas_src>

<mosaic_0001>
#map = affine_map<(d0, d1) -> (0)>
module attributes {stable_mosaic.version = 14 : i64} {
  func.func @body(%arg0: i32, %arg1: i32, %arg2: memref<320000xf32, #tpu.memory_space<hbm>>, %arg3: memref<320000xi32, #tpu.memory_space<hbm>>, %arg4: memref<64xf32, #tpu.memory_space<hbm>>, %arg5: memref<16xf32, #tpu.memory_space<hbm>>, %arg6: memref<320000xf32, #tpu.memory_space<hbm>>, %arg7: memref<10000xf32, #tpu.memory_space<vmem>>, %arg8: memref<10000xi32, #tpu.memory_space<vmem>>, %arg9: memref<10000xf32, #tpu.memory_space<vmem>>, %arg10: memref<10000xf32, #tpu.memory_space<vmem>>, %arg11: memref<16xf32, #tpu.memory_space<vmem>>, %arg12: memref<!tpu.dma_semaphore, #tpu.memory_space<semaphore_mem>>) attributes {dimension_semantics = [#tpu.dimension_semantics<core_parallel>, #tpu.dimension_semantics<subcore_parallel>], iteration_bounds = array<i64: 2, 16>, scalar_prefetch = 0 : i64, scratch_operands = 6 : i64, tpu.core_type = #tpu.core_type<sc_vector_subcore>, window_params = [{transform_indices = #map}, {transform_indices = #map}, {transform_indices = #map}, {transform_indices = #map}, {transform_indices = #map}]} {
    %mul3A = arith.constant 2 : i32
    %mul3A_0 = arith.muli %arg1, %mul3A : i32
    %add3A = arith.addi %mul3A_0, %arg0 : i32
    %mul3A_1 = arith.constant 10000 : i32
    %mul3A_2 = arith.muli %add3A, %mul3A_1 : i32
    "tpu.region"() ({
      %run_scoped3A = tpu.sem_alloc : memref<!tpu.dma_semaphore, #tpu.memory_space<semaphore_mem>>
      %dma_start3A = tpu.memref_slice %arg2[%mul3A_2] : memref<320000xf32, #tpu.memory_space<hbm>> -> memref<10000xf32, #tpu.memory_space<hbm>>
      %dma_start3A_10 = tpu.memref_slice %arg2[%mul3A_2] : memref<320000xf32, #tpu.memory_space<hbm>> -> memref<10000xf32, #tpu.memory_space<hbm>>
      tpu.enqueue_dma source(%dma_start3A_10 : memref<10000xf32, #tpu.memory_space<hbm>>) target(%arg7 : memref<10000xf32, #tpu.memory_space<vmem>>) target_semaphore(%run_scoped3A : memref<!tpu.dma_semaphore, #tpu.memory_space<semaphore_mem>>)
      %dma_wait3A = tpu.memref_slice %arg2[%mul3A_2] : memref<320000xf32, #tpu.memory_space<hbm>> -> memref<10000xf32, #tpu.memory_space<hbm>>
      %dma_wait3A_11 = tpu.memref_slice %arg2[%mul3A_2] : memref<320000xf32, #tpu.memory_space<hbm>> -> memref<10000xf32, #tpu.memory_space<hbm>>
      tpu.wait_dma2 semaphore(%run_scoped3A : memref<!tpu.dma_semaphore, #tpu.memory_space<semaphore_mem>>) src(%dma_wait3A_11 : memref<10000xf32, #tpu.memory_space<hbm>>) dst(%arg7 : memref<10000xf32, #tpu.memory_space<vmem>>)
      tpu.yield
    }) : () -> ()
    "tpu.region"() ({
      %run_scoped3A = tpu.sem_alloc : memref<!tpu.dma_semaphore, #tpu.memory_space<semaphore_mem>>
      %dma_start3A = tpu.memref_slice %arg3[%mul3A_2] : memref<320000xi32, #tpu.memory_space<hbm>> -> memref<10000xi32, #tpu.memory_space<hbm>>
      %dma_start3A_10 = tpu.memref_slice %arg3[%mul3A_2] : memref<320000xi32, #tpu.memory_space<hbm>> -> memref<10000xi32, #tpu.memory_space<hbm>>
      tpu.enqueue_dma source(%dma_start3A_10 : memref<10000xi32, #tpu.memory_space<hbm>>) target(%arg8 : memref<10000xi32, #tpu.memory_space<vmem>>) target_semaphore(%run_scoped3A : memref<!tpu.dma_semaphore, #tpu.memory_space<semaphore_mem>>)
      %dma_wait3A = tpu.memref_slice %arg3[%mul3A_2] : memref<320000xi32, #tpu.memory_space<hbm>> -> memref<10000xi32, #tpu.memory_space<hbm>>
      %dma_wait3A_11 = tpu.memref_slice %arg3[%mul3A_2] : memref<320000xi32, #tpu.memory_space<hbm>> -> memref<10000xi32, #tpu.memory_space<hbm>>
      tpu.wait_dma2 semaphore(%run_scoped3A : memref<!tpu.dma_semaphore, #tpu.memory_space<semaphore_mem>>) src(%dma_wait3A_11 : memref<10000xi32, #tpu.memory_space<hbm>>) dst(%arg8 : memref<10000xi32, #tpu.memory_space<vmem>>)
      tpu.yield
    }) : () -> ()
    "tpu.region"() ({
      %run_scoped3A = tpu.sem_alloc : memref<!tpu.dma_semaphore, #tpu.memory_space<semaphore_mem>>
      tpu.enqueue_dma source(%arg5 : memref<16xf32, #tpu.memory_space<hbm>>) target(%arg11 : memref<16xf32, #tpu.memory_space<vmem>>) target_semaphore(%run_scoped3A : memref<!tpu.dma_semaphore, #tpu.memory_space<semaphore_mem>>)
      tpu.wait_dma2 semaphore(%run_scoped3A : memref<!tpu.dma_semaphore, #tpu.memory_space<semaphore_mem>>) src(%arg5 : memref<16xf32, #tpu.memory_space<hbm>>) dst(%arg11 : memref<16xf32, #tpu.memory_space<vmem>>)
      tpu.yield
    }) : () -> ()
    "tpu.region"() ({
      %run_scoped3A = tpu.sem_alloc : memref<!tpu.dma_semaphore, #tpu.memory_space<semaphore_mem>>
      %dma_start3A = tpu.memref_slice %arg2[%mul3A_2] : memref<320000xf32, #tpu.memory_space<hbm>> -> memref<10000xf32, #tpu.memory_space<hbm>>
      %dma_start3A_10 = tpu.memref_slice %arg2[%mul3A_2] : memref<320000xf32, #tpu.memory_space<hbm>> -> memref<10000xf32, #tpu.memory_space<hbm>>
      tpu.enqueue_dma source(%dma_start3A_10 : memref<10000xf32, #tpu.memory_space<hbm>>) target(%arg10 : memref<10000xf32, #tpu.memory_space<vmem>>) target_semaphore(%run_scoped3A : memref<!tpu.dma_semaphore, #tpu.memory_space<semaphore_mem>>)
      %dma_wait3A = tpu.memref_slice %arg2[%mul3A_2] : memref<320000xf32, #tpu.memory_space<hbm>> -> memref<10000xf32, #tpu.memory_space<hbm>>
      %dma_wait3A_11 = tpu.memref_slice %arg2[%mul3A_2] : memref<320000xf32, #tpu.memory_space<hbm>> -> memref<10000xf32, #tpu.memory_space<hbm>>
      tpu.wait_dma2 semaphore(%run_scoped3A : memref<!tpu.dma_semaphore, #tpu.memory_space<semaphore_mem>>) src(%dma_wait3A_11 : memref<10000xf32, #tpu.memory_space<hbm>>) dst(%arg10 : memref<10000xf32, #tpu.memory_space<vmem>>)
      tpu.yield
    }) : () -> ()
    %get3A = arith.constant 0 : index
    %get3A_3 = tpu.vector_load %arg11[%get3A] {strides = array<i32>} : memref<16xf32, #tpu.memory_space<vmem>>, vector<16xf32>,
    %get3A_4 = vector.shape_cast %get3A_3 : vector<16xf32> to vector<16xf32>
    %scan3A = arith.constant 0 : i32
    %scan3A_5 = arith.constant 0 : i32
    %scan3A_6 = arith.constant 625 : i32
    %scan3A_7 = arith.addi %scan3A_5, %scan3A_6 : i32
    %scan3A_8 = arith.constant 1 : i32
    scf.for %scan3A_10 = %scan3A_5 to %scan3A_7 step %scan3A_8  : i32 {
      %mul3A_11 = arith.constant 16 : i32
      %mul3A_12 = arith.muli %scan3A_10, %mul3A_11 : i32
      %get3A_13 = arith.index_cast %mul3A_12 : i32 to index
      %get3A_14 = tpu.vector_load %arg7[%get3A_13] {strides = array<i32>} : memref<10000xf32, #tpu.memory_space<vmem>>, vector<16xf32>,
      %get3A_15 = vector.shape_cast %get3A_14 : vector<16xf32> to vector<16xf32>
      %sub3A = arith.subf %get3A_15, %get3A_4 : vector<16xf32>
      %exp3A = math.exp %sub3A : vector<16xf32>
      %get3A_16 = arith.index_cast %mul3A_12 : i32 to index
      %get3A_17 = tpu.vector_load %arg10[%get3A_16] {strides = array<i32>} : memref<10000xf32, #tpu.memory_space<vmem>>, vector<16xf32>,
      %get3A_18 = vector.shape_cast %get3A_17 : vector<16xf32> to vector<16xf32>
      %div3A = arith.divf %exp3A, %get3A_18 : vector<16xf32>
      %swap3A = arith.index_cast %mul3A_12 : i32 to index
      %swap3A_19 = tpu.vector_load %arg9[%swap3A] {strides = array<i32>} : memref<10000xf32, #tpu.memory_space<vmem>>, vector<16xf32>,
      %swap3A_20 = vector.shape_cast %swap3A_19 : vector<16xf32> to vector<16xf32>
      %swap3A_21 = vector.shape_cast %div3A : vector<16xf32> to vector<16xf32>
      tpu.vector_store %arg9[%swap3A], %swap3A_21 {strides = array<i32>} : memref<10000xf32, #tpu.memory_space<vmem>>, vector<16xf32>,
    }
    %scan3A_9 = arith.constant 625 : i32
    "tpu.region"() ({
      %run_scoped3A = tpu.sem_alloc : memref<!tpu.dma_semaphore, #tpu.memory_space<semaphore_mem>>
      %dma_start3A = tpu.memref_slice %arg6[%mul3A_2] : memref<320000xf32, #tpu.memory_space<hbm>> -> memref<10000xf32, #tpu.memory_space<hbm>>
      %dma_start3A_10 = tpu.memref_slice %arg6[%mul3A_2] : memref<320000xf32, #tpu.memory_space<hbm>> -> memref<10000xf32, #tpu.memory_space<hbm>>
      tpu.enqueue_dma source(%arg9 : memref<10000xf32, #tpu.memory_space<vmem>>) target(%dma_start3A_10 : memref<10000xf32, #tpu.memory_space<hbm>>) target_semaphore(%run_scoped3A : memref<!tpu.dma_semaphore, #tpu.memory_space<semaphore_mem>>)
      %dma_wait3A = tpu.memref_slice %arg6[%mul3A_2] : memref<320000xf32, #tpu.memory_space<hbm>> -> memref<10000xf32, #tpu.memory_space<hbm>>
      %dma_wait3A_11 = tpu.memref_slice %arg6[%mul3A_2] : memref<320000xf32, #tpu.memory_space<hbm>> -> memref<10000xf32, #tpu.memory_space<hbm>>
      tpu.wait_dma2 semaphore(%run_scoped3A : memref<!tpu.dma_semaphore, #tpu.memory_space<semaphore_mem>>) src(%arg9 : memref<10000xf32, #tpu.memory_space<vmem>>) dst(%dma_wait3A_11 : memref<10000xf32, #tpu.memory_space<hbm>>)
      tpu.yield
    }) : () -> ()
    return
  }
}

module attributes {stable_mosaic.version = 14 : i64} {
  func.func @_wts_body(%arg0: i32, %arg1: memref<4000x1xi32, #tpu.memory_space<vmem>>, %arg2: memref<4000x16xf32, #tpu.memory_space<vmem>>, %arg3: memref<64x32xf32, #tpu.memory_space<vmem>>, %arg4: memref<16x128xf32, #tpu.memory_space<vmem>>, %arg5: memref<32x128xf32, #tpu.memory_space<vmem>>, %arg6: memref<1x128xf32, #tpu.memory_space<vmem>>, %arg7: memref<128x1xf32, #tpu.memory_space<vmem>>, %arg8: memref<1x1xf32, #tpu.memory_space<vmem>>, %arg9: memref<1x1x4000xf32, #tpu.memory_space<vmem>>, %arg10: memref<1x1x1xf32, #tpu.memory_space<vmem>>, %arg11: memref<1x1x64xf32, #tpu.memory_space<vmem>>) attributes {dimension_semantics = [#tpu.dimension_semantics<parallel>], iteration_bounds = array<i64: 80>, scalar_prefetch = 0 : i64, scratch_operands = 0 : i64, tpu.core_type = #tpu.core_type<tc>, window_params = [{transform_indices = @transform_0, window_bounds = array<i64: 4000, 1>}, {transform_indices = @transform_1, window_bounds = array<i64: 4000, 16>}, {pipeline_mode = #tpu.pipeline_mode<synchronous>, transform_indices = @transform_2, window_bounds = array<i64: 64, 32>}, {pipeline_mode = #tpu.pipeline_mode<synchronous>, transform_indices = @transform_3, window_bounds = array<i64: 16, 128>}, {pipeline_mode = #tpu.pipeline_mode<synchronous>, transform_indices = @transform_4, window_bounds = array<i64: 32, 128>}, {pipeline_mode = #tpu.pipeline_mode<synchronous>, transform_indices = @transform_5, window_bounds = array<i64: 1, 128>}, {pipeline_mode = #tpu.pipeline_mode<synchronous>, transform_indices = @transform_6, window_bounds = array<i64: 128, 1>}, {pipeline_mode = #tpu.pipeline_mode<synchronous>, transform_indices = @transform_7, window_bounds = array<i64: 1, 1>}, {transform_indices = @transform_8, window_bounds = array<i64: 1, 1, 4000>}, {transform_indices = @transform_9, window_bounds = array<i64: 1, 1, 1>}, {transform_indices = @transform_10, window_bounds = array<i64: 1, 1, 64>}]} {
    %get3A = arith.constant 0 : index
    %get3A_0 = arith.constant 0 : index
    %get3A_1 = vector.load %arg1[%get3A, %get3A_0] : memref<4000x1xi32, #tpu.memory_space<vmem>>, vector<4000x1xi32>
    %iota3A = tpu.iota {dimensions = array<i32: 1>} : vector<4000x64xi32>
    %eq3A = vector.broadcast %get3A_1 : vector<4000x1xi32> to vector<4000x64xi32>
    %eq3A_2 = arith.cmpi eq, %iota3A, %eq3A : vector<4000x64xi32>
    %convert_element_type3A = arith.extui %eq3A_2 : vector<4000x64xi1> to vector<4000x64xi32>
    %convert_element_type3A_3 = arith.sitofp %convert_element_type3A : vector<4000x64xi32> to vector<4000x64xf32>
    %get3A_4 = arith.constant 0 : index
    %get3A_5 = arith.constant 0 : index
    %get3A_6 = vector.load %arg2[%get3A_4, %get3A_5] : memref<4000x16xf32, #tpu.memory_space<vmem>>, vector<4000x16xf32>
    %convert_element_type3A_7 = arith.truncf %get3A_6 : vector<4000x16xf32> to vector<4000x16xbf16>
    %convert_element_type3A_8 = arith.extui %eq3A_2 : vector<4000x64xi1> to vector<4000x64xi32>
    %convert_element_type3A_9 = arith.sitofp %convert_element_type3A_8 : vector<4000x64xi32> to vector<4000x64xf32>
    %convert_element_type3A_10 = arith.truncf %convert_element_type3A_9 : vector<4000x64xf32> to vector<4000x64xbf16>
    %concatenate3A = tpu.concatenate %convert_element_type3A_7, %convert_element_type3A_10 in 1 : vector<4000x16xbf16>, vector<4000x64xbf16> -> vector<4000x80xbf16>
    %get3A_11 = arith.constant 0 : index
    %get3A_12 = arith.constant 0 : index
    %get3A_13 = vector.load %arg3[%get3A_11, %get3A_12] : memref<64x32xf32, #tpu.memory_space<vmem>>, vector<64x32xf32>
    %get3A_14 = arith.constant 0 : index
    %get3A_15 = arith.constant 0 : index
    %get3A_16 = vector.load %arg5[%get3A_14, %get3A_15] : memref<32x128xf32, #tpu.memory_space<vmem>>, vector<32x128xf32>
    %dot_general3A = arith.constant dense<0.000000e+00> : vector<64x128xf32>
    %dot_general3A_17 = tpu.matmul %get3A_13, %get3A_16, %dot_general3A {dimension_numbers = #tpu.dot_dimension_numbers<[1], [0], [0], [1], [0, 0, 1, 1], [], []>, transpose_lhs_hint = false} : vector<64x32xf32>, vector<32x128xf32>, vector<64x128xf32> -> vector<64x128xf32>
    %get3A_18 = arith.constant 0 : index
    %get3A_19 = arith.constant 0 : index
    %get3A_20 = vector.load %arg4[%get3A_18, %get3A_19] : memref<16x128xf32, #tpu.memory_space<vmem>>, vector<16x128xf32>
    %convert_element_type3A_21 = arith.truncf %get3A_20 : vector<16x128xf32> to vector<16x128xbf16>
    %convert_element_type3A_22 = arith.truncf %dot_general3A_17 : vector<64x128xf32> to vector<64x128xbf16>
    %concatenate3A_23 = tpu.concatenate %convert_element_type3A_21, %convert_element_type3A_22 in 0 : vector<16x128xbf16>, vector<64x128xbf16> -> vector<80x128xbf16>
    %dot_general3A_24 = arith.constant dense<0.000000e+00> : vector<4000x128xf32>
    %dot_general3A_25 = tpu.matmul %concatenate3A, %concatenate3A_23, %dot_general3A_24 {dimension_numbers = #tpu.dot_dimension_numbers<[1], [0], [0], [1], [0, 0, 1, 1], [], []>, transpose_lhs_hint = false} : vector<4000x80xbf16>, vector<80x128xbf16>, vector<4000x128xf32> -> vector<4000x128xf32>
    %get3A_26 = arith.constant 0 : index
    %get3A_27 = arith.constant 0 : index
    %get3A_28 = vector.load %arg6[%get3A_26, %get3A_27] : memref<1x128xf32, #tpu.memory_space<vmem>>, vector<1x128xf32>
    %add3A = vector.broadcast %get3A_28 : vector<1x128xf32> to vector<4000x128xf32>
    %add3A_29 = arith.addf %dot_general3A_25, %add3A : vector<4000x128xf32>
    %max3A = arith.constant 0.000000e+00 : f32
    %max3A_30 = vector.broadcast %max3A : f32 to vector<4000x128xf32>
    %max3A_31 = arith.maximumf %add3A_29, %max3A_30 : vector<4000x128xf32>
    %get3A_32 = arith.constant 0 : index
    %get3A_33 = arith.constant 0 : index
    %get3A_34 = vector.load %arg7[%get3A_32, %get3A_33] : memref<128x1xf32, #tpu.memory_space<vmem>>, vector<128x1xf32>
    %convert_element_type3A_35 = arith.truncf %get3A_34 : vector<128x1xf32> to vector<128x1xbf16>
    %convert_element_type3A_36 = arith.truncf %max3A_31 : vector<4000x128xf32> to vector<4000x128xbf16>
    %dot_general3A_37 = arith.constant dense<0.000000e+00> : vector<1x4000xf32>
    %dot_general3A_38 = tpu.matmul %convert_element_type3A_35, %convert_element_type3A_36, %dot_general3A_37 {dimension_numbers = #tpu.dot_dimension_numbers<[0], [1], [1], [0], [0, 1, 1, 0], [], []>, transpose_lhs_hint = false} : vector<128x1xbf16>, vector<4000x128xbf16>, vector<1x4000xf32> -> vector<1x4000xf32>
    %get3A_39 = arith.constant 0 : index
    %get3A_40 = arith.constant 0 : index
    %get3A_41 = vector.load %arg8[%get3A_39, %get3A_40] : memref<1x1xf32, #tpu.memory_space<vmem>>, vector<1x1xf32>
    %get3A_42 = vector.extract %get3A_41[0, 0] : f32 from vector<1x1xf32>
    %add3A_43 = vector.broadcast %get3A_42 : f32 to vector<1x4000xf32>
    %add3A_44 = arith.addf %dot_general3A_38, %add3A_43 : vector<1x4000xf32>
    %swap3A = arith.constant 0 : index
    %swap3A_45 = arith.constant 0 : index
    %swap3A_46 = arith.constant 0 : index
    %swap3A_47 = vector.load %arg9[%swap3A, %swap3A_45, %swap3A_46] : memref<1x1x4000xf32, #tpu.memory_space<vmem>>, vector<1x1x4000xf32>
    %swap3A_48 = vector.shape_cast %swap3A_47 : vector<1x1x4000xf32> to vector<1x4000xf32>
    %swap3A_49 = vector.shape_cast %add3A_44 : vector<1x4000xf32> to vector<1x1x4000xf32>
    tpu.vector_store %arg9[%swap3A, %swap3A_45, %swap3A_46], %swap3A_49 {strides = array<i32>} : memref<1x1x4000xf32, #tpu.memory_space<vmem>>, vector<1x1x4000xf32>,
    %reduce_max3A = vector.shape_cast %add3A_44 : vector<1x4000xf32> to vector<1x1x4000xf32>
    %reduce_max3A_50 = arith.constant dense<0xFF800000> : vector<1xf32>
    %reduce_max3A_51 = vector.multi_reduction <maximumf>, %reduce_max3A, %reduce_max3A_50 [1, 2] : vector<1x1x4000xf32> to vector<1xf32>
    %reduce_max3A_52 = vector.shape_cast %reduce_max3A_51 : vector<1xf32> to vector<1x1x1xf32>
    %reduce_max3A_53 = vector.extract %reduce_max3A_52[0, 0, 0] : f32 from vector<1x1x1xf32>
    %sub3A = vector.broadcast %reduce_max3A_53 : f32 to vector<1x4000xf32>
    %sub3A_54 = arith.subf %add3A_44, %sub3A : vector<1x4000xf32>
    %exp3A = math.exp %sub3A_54 : vector<1x4000xf32>
    %dot_general3A_55 = arith.constant dense<0.000000e+00> : vector<1x64xf32>
    %dot_general3A_56 = tpu.matmul %exp3A, %convert_element_type3A_3, %dot_general3A_55 {dimension_numbers = #tpu.dot_dimension_numbers<[1], [0], [0], [1], [0, 0, 1, 1], [], []>, transpose_lhs_hint = false} : vector<1x4000xf32>, vector<4000x64xf32>, vector<1x64xf32> -> vector<1x64xf32>
    %broadcast_in_dim3A = vector.broadcast %reduce_max3A_53 : f32 to vector<1x1xf32>
    %swap3A_57 = arith.constant 0 : index
    %swap3A_58 = arith.constant 0 : index
    %swap3A_59 = arith.constant 0 : index
    %swap3A_60 = vector.load %arg10[%swap3A_57, %swap3A_58, %swap3A_59] : memref<1x1x1xf32, #tpu.memory_space<vmem>>, vector<1x1x1xf32>
    %swap3A_61 = vector.shape_cast %swap3A_60 : vector<1x1x1xf32> to vector<1x1xf32>
    %swap3A_62 = vector.shape_cast %broadcast_in_dim3A : vector<1x1xf32> to vector<1x1x1xf32>
    tpu.vector_store %arg10[%swap3A_57, %swap3A_58, %swap3A_59], %swap3A_62 {strides = array<i32>} : memref<1x1x1xf32, #tpu.memory_space<vmem>>, vector<1x1x1xf32>,
    %swap3A_63 = arith.constant 0 : index
    %swap3A_64 = arith.constant 0 : index
    %swap3A_65 = arith.constant 0 : index
    %swap3A_66 = vector.load %arg11[%swap3A_63, %swap3A_64, %swap3A_65] : memref<1x1x64xf32, #tpu.memory_space<vmem>>, vector<1x1x64xf32>
    %swap3A_67 = vector.shape_cast %swap3A_66 : vector<1x1x64xf32> to vector<1x64xf32>
    %swap3A_68 = vector.shape_cast %dot_general3A_56 : vector<1x64xf32> to vector<1x1x64xf32>
    tpu.vector_store %arg11[%swap3A_63, %swap3A_64, %swap3A_65], %swap3A_68 {strides = array<i32>} : memref<1x1x64xf32, #tpu.memory_space<vmem>>, vector<1x1x64xf32>,
    return
  }
  func.func @transform_0(%arg0: i32) -> (i32, i32) {
    %c0_i32 = arith.constant 0 : i32
    %c0_i32_0 = arith.constant 0 : i32
    return %arg0, %c0_i32 : i32, i32
  }
  func.func @transform_1(%arg0: i32) -> (i32, i32) {
    %c0_i32 = arith.constant 0 : i32
    %c0_i32_0 = arith.constant 0 : i32
    return %arg0, %c0_i32 : i32, i32
  }
  func.func @transform_2(%arg0: i32) -> (i32, i32) {
    %c0_i32 = arith.constant 0 : i32
    %c0_i32_0 = arith.constant 0 : i32
    %c0_i32_1 = arith.constant 0 : i32
    return %c0_i32, %c0_i32_0 : i32, i32
  }
  func.func @transform_3(%arg0: i32) -> (i32, i32) {
    %c0_i32 = arith.constant 0 : i32
    %c0_i32_0 = arith.constant 0 : i32
    %c0_i32_1 = arith.constant 0 : i32
    return %c0_i32, %c0_i32_0 : i32, i32
  }
  func.func @transform_4(%arg0: i32) -> (i32, i32) {
    %c0_i32 = arith.constant 0 : i32
    %c0_i32_0 = arith.constant 0 : i32
    %c0_i32_1 = arith.constant 0 : i32
    return %c0_i32, %c0_i32_0 : i32, i32
  }
  func.func @transform_5(%arg0: i32) -> (i32, i32) {
    %c0_i32 = arith.constant 0 : i32
    %c0_i32_0 = arith.constant 0 : i32
    %c0_i32_1 = arith.constant 0 : i32
    return %c0_i32, %c0_i32_0 : i32, i32
  }
  func.func @transform_6(%arg0: i32) -> (i32, i32) {
    %c0_i32 = arith.constant 0 : i32
    %c0_i32_0 = arith.constant 0 : i32
    %c0_i32_1 = arith.constant 0 : i32
    return %c0_i32, %c0_i32_0 : i32, i32
  }
  func.func @transform_7(%arg0: i32) -> (i32, i32) {
    %c0_i32 = arith.constant 0 : i32
    %c0_i32_0 = arith.constant 0 : i32
    %c0_i32_1 = arith.constant 0 : i32
    return %c0_i32, %c0_i32_0 : i32, i32
  }
  func.func @transform_8(%arg0: i32) -> (i32, i32, i32) {
    %c0_i32 = arith.constant 0 : i32
    %c0_i32_0 = arith.constant 0 : i32
    %c0_i32_1 = arith.constant 0 : i32
    return %arg0, %c0_i32, %c0_i32_0 : i32, i32, i32
  }
  func.func @transform_9(%arg0: i32) -> (i32, i32, i32) {
    %c0_i32 = arith.constant 0 : i32
    %c0_i32_0 = arith.constant 0 : i32
    %c0_i32_1 = arith.constant 0 : i32
    return %arg0, %c0_i32, %c0_i32_0 : i32, i32, i32
  }
  func.func @transform_10(%arg0: i32) -> (i32, i32, i32) {
    %c0_i32 = arith.constant 0 : i32
    %c0_i32_0 = arith.constant 0 : i32
    %c0_i32_1 = arith.constant 0 : i32
    return %arg0, %c0_i32, %c0_i32_0 : i32, i32, i32
  }
}

module attributes {stable_mosaic.version = 14 : i64} {
  func.func @_combine_body(%arg0: i32, %arg1: memref<80x1xf32, #tpu.memory_space<vmem>>, %arg2: memref<80x64xf32, #tpu.memory_space<vmem>>, %arg3: memref<1x16xf32, #tpu.memory_space<vmem>>, %arg4: memref<1x64xf32, #tpu.memory_space<vmem>>) attributes {dimension_semantics = [#tpu.dimension_semantics<arbitrary>], iteration_bounds = array<i64: 1>, scalar_prefetch = 0 : i64, scratch_operands = 0 : i64, tpu.core_type = #tpu.core_type<tc>, window_params = [{pipeline_mode = #tpu.pipeline_mode<synchronous>, transform_indices = @transform_0, window_bounds = array<i64: 80, 1>}, {pipeline_mode = #tpu.pipeline_mode<synchronous>, transform_indices = @transform_1, window_bounds = array<i64: 80, 64>}, {pipeline_mode = #tpu.pipeline_mode<synchronous>, transform_indices = @transform_2, window_bounds = array<i64: 1, 16>}, {pipeline_mode = #tpu.pipeline_mode<synchronous>, transform_indices = @transform_3, window_bounds = array<i64: 1, 64>}]} {
    %get3A = arith.constant 0 : index
    %get3A_0 = arith.constant 0 : index
    %get3A_1 = vector.load %arg1[%get3A, %get3A_0] : memref<80x1xf32, #tpu.memory_space<vmem>>, vector<80x1xf32>
    %reduce_max3A = vector.shape_cast %get3A_1 : vector<80x1xf32> to vector<1x80x1xf32>
    %reduce_max3A_2 = arith.constant dense<0xFF800000> : vector<1xf32>
    %reduce_max3A_3 = vector.multi_reduction <maximumf>, %reduce_max3A, %reduce_max3A_2 [1, 2] : vector<1x80x1xf32> to vector<1xf32>
    %reduce_max3A_4 = vector.shape_cast %reduce_max3A_3 : vector<1xf32> to vector<1x1x1xf32>
    %reduce_max3A_5 = vector.extract %reduce_max3A_4[0, 0, 0] : f32 from vector<1x1x1xf32>
    %sub3A = vector.broadcast %reduce_max3A_5 : f32 to vector<80x1xf32>
    %sub3A_6 = arith.subf %get3A_1, %sub3A : vector<80x1xf32>
    %exp3A = math.exp %sub3A_6 : vector<80x1xf32>
    %get3A_7 = arith.constant 0 : index
    %get3A_8 = arith.constant 0 : index
    %get3A_9 = vector.load %arg2[%get3A_7, %get3A_8] : memref<80x64xf32, #tpu.memory_space<vmem>>, vector<80x64xf32>
    %dot_general3A = arith.constant dense<0.000000e+00> : vector<1x64xf32>
    %dot_general3A_10 = tpu.matmul %exp3A, %get3A_9, %dot_general3A {dimension_numbers = #tpu.dot_dimension_numbers<[0], [0], [1], [1], [0, 1, 1, 1], [], []>, transpose_lhs_hint = false} : vector<80x1xf32>, vector<80x64xf32>, vector<1x64xf32> -> vector<1x64xf32>
    %swap3A = arith.constant 0 : index
    %swap3A_11 = arith.constant 0 : index
    %swap3A_12 = vector.load %arg4[%swap3A, %swap3A_11] : memref<1x64xf32, #tpu.memory_space<vmem>>, vector<1x64xf32>
    tpu.vector_store %arg4[%swap3A, %swap3A_11], %dot_general3A_10 {strides = array<i32>} : memref<1x64xf32, #tpu.memory_space<vmem>>, vector<1x64xf32>,
    %broadcast_in_dim3A = vector.broadcast %reduce_max3A_5 : f32 to vector<1x16xf32>
    %swap3A_13 = arith.constant 0 : index
    %swap3A_14 = arith.constant 0 : index
    %swap3A_15 = vector.load %arg3[%swap3A_13, %swap3A_14] : memref<1x16xf32, #tpu.memory_space<vmem>>, vector<1x16xf32>
    tpu.vector_store %arg3[%swap3A_13, %swap3A_14], %broadcast_in_dim3A {strides = array<i32>} : memref<1x16xf32, #tpu.memory_space<vmem>>, vector<1x16xf32>,
    return
  }
  func.func @transform_0(%arg0: i32) -> (i32, i32) {
    %c0_i32 = arith.constant 0 : i32
    %c0_i32_0 = arith.constant 0 : i32
    %c0_i32_1 = arith.constant 0 : i32
    return %c0_i32, %c0_i32_0 : i32, i32
  }
  func.func @transform_1(%arg0: i32) -> (i32, i32) {
    %c0_i32 = arith.constant 0 : i32
    %c0_i32_0 = arith.constant 0 : i32
    %c0_i32_1 = arith.constant 0 : i32
    return %c0_i32, %c0_i32_0 : i32, i32
  }
  func.func @transform_2(%arg0: i32) -> (i32, i32) {
    %c0_i32 = arith.constant 0 : i32
    %c0_i32_0 = arith.constant 0 : i32
    %c0_i32_1 = arith.constant 0 : i32
    return %c0_i32, %c0_i32_0 : i32, i32
  }
  func.func @transform_3(%arg0: i32) -> (i32, i32) {
    %c0_i32 = arith.constant 0 : i32
    %c0_i32_0 = arith.constant 0 : i32
    %c0_i32_1 = arith.constant 0 : i32
    return %c0_i32, %c0_i32_0 : i32, i32
  }
}

module attributes {stable_mosaic.version = 14 : i64} {
  func.func @_mlp_body(%arg0: i32, %arg1: memref<4000x1xi32, #tpu.memory_space<vmem>>, %arg2: memref<4000x128xf32, #tpu.memory_space<vmem>>, %arg3: memref<4000x128xf32, #tpu.memory_space<vmem>>, %arg4: memref<4000x16xf32, #tpu.memory_space<vmem>>, %arg5: memref<64x32xf32, #tpu.memory_space<vmem>>, %arg6: memref<128x128xf32, #tpu.memory_space<vmem>>, %arg7: memref<128x128xf32, #tpu.memory_space<vmem>>, %arg8: memref<16x128xf32, #tpu.memory_space<vmem>>, %arg9: memref<32x128xf32, #tpu.memory_space<vmem>>, %arg10: memref<1x128xf32, #tpu.memory_space<vmem>>, %arg11: memref<128x128xf32, #tpu.memory_space<vmem>>, %arg12: memref<1x128xf32, #tpu.memory_space<vmem>>, %arg13: memref<128x16xf32, #tpu.memory_space<vmem>>, %arg14: memref<1x16xf32, #tpu.memory_space<vmem>>, %arg15: memref<4000x16xf32, #tpu.memory_space<vmem>>) attributes {dimension_semantics = [#tpu.dimension_semantics<parallel>], iteration_bounds = array<i64: 80>, scalar_prefetch = 0 : i64, scratch_operands = 0 : i64, tpu.core_type = #tpu.core_type<tc>, window_params = [{transform_indices = @transform_0, window_bounds = array<i64: 4000, 1>}, {transform_indices = @transform_1, window_bounds = array<i64: 4000, 128>}, {transform_indices = @transform_2, window_bounds = array<i64: 4000, 128>}, {transform_indices = @transform_3, window_bounds = array<i64: 4000, 16>}, {pipeline_mode = #tpu.pipeline_mode<synchronous>, transform_indices = @transform_4, window_bounds = array<i64: 64, 32>}, {pipeline_mode = #tpu.pipeline_mode<synchronous>, transform_indices = @transform_5, window_bounds = array<i64: 128, 128>}, {pipeline_mode = #tpu.pipeline_mode<synchronous>, transform_indices = @transform_6, window_bounds = array<i64: 128, 128>}, {pipeline_mode = #tpu.pipeline_mode<synchronous>, transform_indices = @transform_7, window_bounds = array<i64: 16, 128>}, {pipeline_mode = #tpu.pipeline_mode<synchronous>, transform_indices = @transform_8, window_bounds = array<i64: 32, 128>}, {pipeline_mode = #tpu.pipeline_mode<synchronous>, transform_indices = @transform_9, window_bounds = array<i64: 1, 128>}, {pipeline_mode = #tpu.pipeline_mode<synchronous>, transform_indices = @transform_10, window_bounds = array<i64: 128, 128>}, {pipeline_mode = #tpu.pipeline_mode<synchronous>, transform_indices = @transform_11, window_bounds = array<i64: 1, 128>}, {pipeline_mode = #tpu.pipeline_mode<synchronous>, transform_indices = @transform_12, window_bounds = array<i64: 128, 16>}, {pipeline_mode = #tpu.pipeline_mode<synchronous>, transform_indices = @transform_13, window_bounds = array<i64: 1, 16>}, {transform_indices = @transform_14, window_bounds = array<i64: 4000, 16>}]} {
    %get3A = arith.constant 0 : index
    %get3A_0 = arith.constant 0 : index
    %get3A_1 = vector.load %arg1[%get3A, %get3A_0] : memref<4000x1xi32, #tpu.memory_space<vmem>>, vector<4000x1xi32>
    %iota3A = tpu.iota {dimensions = array<i32: 1>} : vector<4000x64xi32>
    %eq3A = vector.broadcast %get3A_1 : vector<4000x1xi32> to vector<4000x64xi32>
    %eq3A_2 = arith.cmpi eq, %iota3A, %eq3A : vector<4000x64xi32>
    %get3A_3 = arith.constant 0 : index
    %get3A_4 = arith.constant 0 : index
    %get3A_5 = vector.load %arg4[%get3A_3, %get3A_4] : memref<4000x16xf32, #tpu.memory_space<vmem>>, vector<4000x16xf32>
    %convert_element_type3A = arith.truncf %get3A_5 : vector<4000x16xf32> to vector<4000x16xbf16>
    %convert_element_type3A_6 = arith.extui %eq3A_2 : vector<4000x64xi1> to vector<4000x64xi32>
    %convert_element_type3A_7 = arith.sitofp %convert_element_type3A_6 : vector<4000x64xi32> to vector<4000x64xf32>
    %convert_element_type3A_8 = arith.truncf %convert_element_type3A_7 : vector<4000x64xf32> to vector<4000x64xbf16>
    %concatenate3A = tpu.concatenate %convert_element_type3A, %convert_element_type3A_8 in 1 : vector<4000x16xbf16>, vector<4000x64xbf16> -> vector<4000x80xbf16>
    %get3A_9 = arith.constant 0 : index
    %get3A_10 = arith.constant 0 : index
    %get3A_11 = vector.load %arg5[%get3A_9, %get3A_10] : memref<64x32xf32, #tpu.memory_space<vmem>>, vector<64x32xf32>
    %get3A_12 = arith.constant 0 : index
    %get3A_13 = arith.constant 0 : index
    %get3A_14 = vector.load %arg9[%get3A_12, %get3A_13] : memref<32x128xf32, #tpu.memory_space<vmem>>, vector<32x128xf32>
    %dot_general3A = arith.constant dense<0.000000e+00> : vector<64x128xf32>
    %dot_general3A_15 = tpu.matmul %get3A_11, %get3A_14, %dot_general3A {dimension_numbers = #tpu.dot_dimension_numbers<[1], [0], [0], [1], [0, 0, 1, 1], [], []>, transpose_lhs_hint = false} : vector<64x32xf32>, vector<32x128xf32>, vector<64x128xf32> -> vector<64x128xf32>
    %get3A_16 = arith.constant 0 : index
    %get3A_17 = arith.constant 0 : index
    %get3A_18 = vector.load %arg8[%get3A_16, %get3A_17] : memref<16x128xf32, #tpu.memory_space<vmem>>, vector<16x128xf32>
    %convert_element_type3A_19 = arith.truncf %get3A_18 : vector<16x128xf32> to vector<16x128xbf16>
    %convert_element_type3A_20 = arith.truncf %dot_general3A_15 : vector<64x128xf32> to vector<64x128xbf16>
    %concatenate3A_21 = tpu.concatenate %convert_element_type3A_19, %convert_element_type3A_20 in 0 : vector<16x128xbf16>, vector<64x128xbf16> -> vector<80x128xbf16>
    %get3A_22 = arith.constant 0 : index
    %get3A_23 = arith.constant 0 : index
    %get3A_24 = vector.load %arg2[%get3A_22, %get3A_23] : memref<4000x128xf32, #tpu.memory_space<vmem>>, vector<4000x128xf32>
    %convert_element_type3A_25 = arith.truncf %get3A_24 : vector<4000x128xf32> to vector<4000x128xbf16>
    %get3A_26 = arith.constant 0 : index
    %get3A_27 = arith.constant 0 : index
    %get3A_28 = vector.load %arg6[%get3A_26, %get3A_27] : memref<128x128xf32, #tpu.memory_space<vmem>>, vector<128x128xf32>
    %convert_element_type3A_29 = arith.truncf %get3A_28 : vector<128x128xf32> to vector<128x128xbf16>
    %dot_general3A_30 = arith.constant dense<0.000000e+00> : vector<4000x128xf32>
    %dot_general3A_31 = tpu.matmul %convert_element_type3A_25, %convert_element_type3A_29, %dot_general3A_30 {dimension_numbers = #tpu.dot_dimension_numbers<[1], [0], [0], [1], [0, 0, 1, 1], [], []>, transpose_lhs_hint = false} : vector<4000x128xbf16>, vector<128x128xbf16>, vector<4000x128xf32> -> vector<4000x128xf32>
    %get3A_32 = arith.constant 0 : index
    %get3A_33 = arith.constant 0 : index
    %get3A_34 = vector.load %arg3[%get3A_32, %get3A_33] : memref<4000x128xf32, #tpu.memory_space<vmem>>, vector<4000x128xf32>
    %convert_element_type3A_35 = arith.truncf %get3A_34 : vector<4000x128xf32> to vector<4000x128xbf16>
    %get3A_36 = arith.constant 0 : index
    %get3A_37 = arith.constant 0 : index
    %get3A_38 = vector.load %arg7[%get3A_36, %get3A_37] : memref<128x128xf32, #tpu.memory_space<vmem>>, vector<128x128xf32>
    %convert_element_type3A_39 = arith.truncf %get3A_38 : vector<128x128xf32> to vector<128x128xbf16>
    %dot_general3A_40 = arith.constant dense<0.000000e+00> : vector<4000x128xf32>
    %dot_general3A_41 = tpu.matmul %convert_element_type3A_35, %convert_element_type3A_39, %dot_general3A_40 {dimension_numbers = #tpu.dot_dimension_numbers<[1], [0], [0], [1], [0, 0, 1, 1], [], []>, transpose_lhs_hint = false} : vector<4000x128xbf16>, vector<128x128xbf16>, vector<4000x128xf32> -> vector<4000x128xf32>
    %add3A = arith.addf %dot_general3A_31, %dot_general3A_41 : vector<4000x128xf32>
    %dot_general3A_42 = arith.constant dense<0.000000e+00> : vector<4000x128xf32>
    %dot_general3A_43 = tpu.matmul %concatenate3A, %concatenate3A_21, %dot_general3A_42 {dimension_numbers = #tpu.dot_dimension_numbers<[1], [0], [0], [1], [0, 0, 1, 1], [], []>, transpose_lhs_hint = false} : vector<4000x80xbf16>, vector<80x128xbf16>, vector<4000x128xf32> -> vector<4000x128xf32>
    %add3A_44 = arith.addf %add3A, %dot_general3A_43 : vector<4000x128xf32>
    %get3A_45 = arith.constant 0 : index
    %get3A_46 = arith.constant 0 : index
    %get3A_47 = vector.load %arg10[%get3A_45, %get3A_46] : memref<1x128xf32, #tpu.memory_space<vmem>>, vector<1x128xf32>
    %add3A_48 = vector.broadcast %get3A_47 : vector<1x128xf32> to vector<4000x128xf32>
    %add3A_49 = arith.addf %add3A_44, %add3A_48 : vector<4000x128xf32>
    %max3A = arith.constant 0.000000e+00 : f32
    %max3A_50 = vector.broadcast %max3A : f32 to vector<4000x128xf32>
    %max3A_51 = arith.maximumf %add3A_49, %max3A_50 : vector<4000x128xf32>
    %convert_element_type3A_52 = arith.truncf %max3A_51 : vector<4000x128xf32> to vector<4000x128xbf16>
    %get3A_53 = arith.constant 0 : index
    %get3A_54 = arith.constant 0 : index
    %get3A_55 = vector.load %arg11[%get3A_53, %get3A_54] : memref<128x128xf32, #tpu.memory_space<vmem>>, vector<128x128xf32>
    %convert_element_type3A_56 = arith.truncf %get3A_55 : vector<128x128xf32> to vector<128x128xbf16>
    %dot_general3A_57 = arith.constant dense<0.000000e+00> : vector<4000x128xf32>
    %dot_general3A_58 = tpu.matmul %convert_element_type3A_52, %convert_element_type3A_56, %dot_general3A_57 {dimension_numbers = #tpu.dot_dimension_numbers<[1], [0], [0], [1], [0, 0, 1, 1], [], []>, transpose_lhs_hint = false} : vector<4000x128xbf16>, vector<128x128xbf16>, vector<4000x128xf32> -> vector<4000x128xf32>
    %get3A_59 = arith.constant 0 : index
    %get3A_60 = arith.constant 0 : index
    %get3A_61 = vector.load %arg12[%get3A_59, %get3A_60] : memref<1x128xf32, #tpu.memory_space<vmem>>, vector<1x128xf32>
    %add3A_62 = vector.broadcast %get3A_61 : vector<1x128xf32> to vector<4000x128xf32>
    %add3A_63 = arith.addf %dot_general3A_58, %add3A_62 : vector<4000x128xf32>
    %max3A_64 = arith.constant 0.000000e+00 : f32
    %max3A_65 = vector.broadcast %max3A_64 : f32 to vector<4000x128xf32>
    %max3A_66 = arith.maximumf %add3A_63, %max3A_65 : vector<4000x128xf32>
    %convert_element_type3A_67 = arith.truncf %max3A_66 : vector<4000x128xf32> to vector<4000x128xbf16>
    %get3A_68 = arith.constant 0 : index
    %get3A_69 = arith.constant 0 : index
    %get3A_70 = vector.load %arg13[%get3A_68, %get3A_69] : memref<128x16xf32, #tpu.memory_space<vmem>>, vector<128x16xf32>
    %convert_element_type3A_71 = arith.truncf %get3A_70 : vector<128x16xf32> to vector<128x16xbf16>
    %dot_general3A_72 = arith.constant dense<0.000000e+00> : vector<4000x16xf32>
    %dot_general3A_73 = tpu.matmul %convert_element_type3A_67, %convert_element_type3A_71, %dot_general3A_72 {dimension_numbers = #tpu.dot_dimension_numbers<[1], [0], [0], [1], [0, 0, 1, 1], [], []>, transpose_lhs_hint = false} : vector<4000x128xbf16>, vector<128x16xbf16>, vector<4000x16xf32> -> vector<4000x16xf32>
    %get3A_74 = arith.constant 0 : index
    %get3A_75 = arith.constant 0 : index
    %get3A_76 = vector.load %arg14[%get3A_74, %get3A_75] : memref<1x16xf32, #tpu.memory_space<vmem>>, vector<1x16xf32>
    %add3A_77 = vector.broadcast %get3A_76 : vector<1x16xf32> to vector<4000x16xf32>
    %add3A_78 = arith.addf %dot_general3A_73, %add3A_77 : vector<4000x16xf32>
    %swap3A = arith.constant 0 : index
    %swap3A_79 = arith.constant 0 : index
    %swap3A_80 = vector.load %arg15[%swap3A, %swap3A_79] : memref<4000x16xf32, #tpu.memory_space<vmem>>, vector<4000x16xf32>
    tpu.vector_store %arg15[%swap3A, %swap3A_79], %add3A_78 {strides = array<i32>} : memref<4000x16xf32, #tpu.memory_space<vmem>>, vector<4000x16xf32>,
    return
  }
  func.func @transform_0(%arg0: i32) -> (i32, i32) {
    %c0_i32 = arith.constant 0 : i32
    %c0_i32_0 = arith.constant 0 : i32
    return %arg0, %c0_i32 : i32, i32
  }
  func.func @transform_1(%arg0: i32) -> (i32, i32) {
    %c0_i32 = arith.constant 0 : i32
    %c0_i32_0 = arith.constant 0 : i32
    return %arg0, %c0_i32 : i32, i32
  }
  func.func @transform_2(%arg0: i32) -> (i32, i32) {
    %c0_i32 = arith.constant 0 : i32
    %c0_i32_0 = arith.constant 0 : i32
    return %arg0, %c0_i32 : i32, i32
  }
  func.func @transform_3(%arg0: i32) -> (i32, i32) {
    %c0_i32 = arith.constant 0 : i32
    %c0_i32_0 = arith.constant 0 : i32
    return %arg0, %c0_i32 : i32, i32
  }
  func.func @transform_4(%arg0: i32) -> (i32, i32) {
    %c0_i32 = arith.constant 0 : i32
    %c0_i32_0 = arith.constant 0 : i32
    %c0_i32_1 = arith.constant 0 : i32
    return %c0_i32, %c0_i32_0 : i32, i32
  }
  func.func @transform_5(%arg0: i32) -> (i32, i32) {
    %c0_i32 = arith.constant 0 : i32
    %c0_i32_0 = arith.constant 0 : i32
    %c0_i32_1 = arith.constant 0 : i32
    return %c0_i32, %c0_i32_0 : i32, i32
  }
  func.func @transform_6(%arg0: i32) -> (i32, i32) {
    %c0_i32 = arith.constant 0 : i32
    %c0_i32_0 = arith.constant 0 : i32
    %c0_i32_1 = arith.constant 0 : i32
    return %c0_i32, %c0_i32_0 : i32, i32
  }
  func.func @transform_7(%arg0: i32) -> (i32, i32) {
    %c0_i32 = arith.constant 0 : i32
    %c0_i32_0 = arith.constant 0 : i32
    %c0_i32_1 = arith.constant 0 : i32
    return %c0_i32, %c0_i32_0 : i32, i32
  }
  func.func @transform_8(%arg0: i32) -> (i32, i32) {
    %c0_i32 = arith.constant 0 : i32
    %c0_i32_0 = arith.constant 0 : i32
    %c0_i32_1 = arith.constant 0 : i32
    return %c0_i32, %c0_i32_0 : i32, i32
  }
  func.func @transform_9(%arg0: i32) -> (i32, i32) {
    %c0_i32 = arith.constant 0 : i32
    %c0_i32_0 = arith.constant 0 : i32
    %c0_i32_1 = arith.constant 0 : i32
    return %c0_i32, %c0_i32_0 : i32, i32
  }
  func.func @transform_10(%arg0: i32) -> (i32, i32) {
    %c0_i32 = arith.constant 0 : i32
    %c0_i32_0 = arith.constant 0 : i32
    %c0_i32_1 = arith.constant 0 : i32
    return %c0_i32, %c0_i32_0 : i32, i32
  }
  func.func @transform_11(%arg0: i32) -> (i32, i32) {
    %c0_i32 = arith.constant 0 : i32
    %c0_i32_0 = arith.constant 0 : i32
    %c0_i32_1 = arith.constant 0 : i32
    return %c0_i32, %c0_i32_0 : i32, i32
  }
  func.func @transform_12(%arg0: i32) -> (i32, i32) {
    %c0_i32 = arith.constant 0 : i32
    %c0_i32_0 = arith.constant 0 : i32
    %c0_i32_1 = arith.constant 0 : i32
    return %c0_i32, %c0_i32_0 : i32, i32
  }
  func.func @transform_13(%arg0: i32) -> (i32, i32) {
    %c0_i32 = arith.constant 0 : i32
    %c0_i32_0 = arith.constant 0 : i32
    %c0_i32_1 = arith.constant 0 : i32
    return %c0_i32, %c0_i32_0 : i32, i32
  }
  func.func @transform_14(%arg0: i32) -> (i32, i32) {
    %c0_i32 = arith.constant 0 : i32
    %c0_i32_0 = arith.constant 0 : i32
    return %arg0, %c0_i32 : i32, i32
  }
}

</mosaic_0001>

<sc_bundles>
// kernel: kernel.6.cloned.1.call-start
scs
__scs_entry_jumppad:
0x0: {  	(pc) =	sbr.rel $0x88, $3  }
0x1: {  	(tag) =	ssettag $0x0;
	lr =	simm.s32 $0x1  }
0x2: {  	[smem:$0x3F92] =	sst lr;
	_ =	strace $0xD0000000  }
0x3: {  	_ = 	snop  }
0x4: {  	_ = 	snop  }
0x5: {  	_ = 	snop  }
0x6: {  	_ = 	snop  }
0x7: {  	_ = 	snop  }
__scs_overlays_trampoline_lowered:
0x8: {  	[smem:$0x3FA1] =	sst s0  }
0x9: {  	[smem:$0x3FA2] =	sst s1  }
0xa: {  	[smem:$0x3FA3] =	sst s2  }
0xb: {  	[smem:$0x3FA4] =	sst s3  }
0xc: {  	[smem:$0x3FA5] =	sst s4  }
0xd: {  	[smem:$0x3FA6] =	sst s5  }
0xe: {  	[smem:$0x3FA7] =	sst s6  }
0xf: {  	[smem:$0x3FA8] =	sst s7  }
0x10: {  	[smem:$0x3FA9] =	sst s8  }
0x11: {  	[smem:$0x3FAA] =	sst s9;
	s0 =	simm.s32 @!p0 $0x0  }
0x12: {  	s1 =	sld [smem:$0x3F90];
	s0 =	simm.s32 @p0 $0x1  }
0x13: {  	[smem:$0x3FAB] =	sst s0;
	s0 =	simm.s32 @!p1 $0x0  }
0x14: {  	s2 =	sld [smem:$0x3F8F];
	s0 =	simm.s32 @p1 $0x1  }
0x15: {  	[smem:$0x3FAC] =	sst s0;
	s0 =	simm.s32 @!p2 $0x0  }
0x16: {  	s3 =	sld [smem:$0x3FDB];
	s0 =	simm.s32 @p2 $0x1  }
0x17: {  	s4 =	simm.s32 $0x1BF5;
	[smem:$0x3FAE] =	sst s0  }
0x18: {  	s0 =	sld [smem:$0x3F91];
	_ =	swait.ge [sflag:s4], $0x0  }
0x19: {  	s7 =	sld [smem:$0x3F92]  }
0x1a: {  	s8 =	sadd.s32 $0xFFFFE003, lr  }
0x1b: {  	s9 =	sadd.s32 $0xFFFFFEF7, lr;
	s5 =	simm.s32 $0xFFFFFFFF;
	p2 =	slt.u32 s8, $0xFFFFF086  }
0x1c: {  	p1 =	slt.u32 s9, $0xF7A;
	s5 =	simm.s32 @!p2 $0x0  }
0x1d: {  	s5 =	simm.s32 @p1 $0x1;
	p0 =	seq.s32 s7, s2  }
0x1e: {  	s7 =	smul.u32 @!p0 $0xF7A, s2;
	p2 =	seq.s32 @!p0 s5, $0x0  }
0x1f: {  	s9 =	smul.u32 $0xF7A, s1;
	s8 =	simm.s32 @!p0 $0x1BF5;
	p2 =	por !p2, p0  }
0x20: {  	[sflag:s8] =	ssyncset.s32 @!p0 $0xFFFFF086;
	s6 =	sadd.s32 @!p0 s3, s7;
	s7 =	simm.s32 @!p0 $0x108  }
0x21: {  	s3 =	sadd.s32 s3, s9;
	s6 =	sadd.s32 @!p0 $0x88, s6;
	s7 =	simm.s32 @p2 $0x1082  }
0x22: {  	[simem:s7], [sflag:s8] =	dma.local @!p0 [hbm:s6], $0xF7A  }
0x23: {  	s9 =	sor.u32 $0xD0000000, s2;
	s6 =	simm.s32 $0x108;
	_ =	swait.ge @!p0 [sflag:s8], $0x0  }
0x24: {  	s3 =	sadd.s32 $0x88, s3;
	s6 =	simm.s32 @!p1 $0x1082;
	[sflag:s4] =	ssyncset.s32 $0xFFFFF086  }
0x25: {  	[simem:s6], [sflag:s4] =	dma.local [hbm:s3], $0xF7A  }
0x26: {  	[smem:$0x3F92] =	sst s1;
	(tag) =	ssettag s2;
	_ =	strace s9  }
0x27: {  	s1 =	sld [smem:$0x3FA2]  }
0x28: {  	s2 =	sld [smem:$0x3FA3]  }
0x29: {  	s4 =	sld [smem:$0x3FA5]  }
0x2a: {  	p0 =	seq.s32 s5, $0x0;
	s5 =	sld [smem:$0x3FA6]  }
0x2b: {  	s6 =	sld [smem:$0x3FA7]  }
0x2c: {  	s7 =	sld [smem:$0x3FA8]  }
0x2d: {  	s3 =	simm.s32 $0x108;
	s8 =	sld [smem:$0x3FA9]  }
0x2e: {  	s3 =	simm.s32 @!p0 $0x1082;
	s9 =	sld [smem:$0x3FAA]  }
0x2f: {  	lr =	sadd.s32 s0, s3;
	s0 =	sld [smem:$0x3FA1]  }
0x30: {  	s3 =	sld [smem:$0x3FA4]  }
0x31: {  	[smem:$0x3FAD] =	sst s10  }
0x32: {  	s10 =	sld [smem:$0x3FAB];
	_ =	sdelay $0x3  }
0x33: {  	p0 =	seq.s32 s10, $0x1;
	s10 =	sld [smem:$0x3FAD];
	_ =	sdelay $0x3  }
0x34: {  	[smem:$0x3FAD] =	sst s10  }
0x35: {  	s10 =	sld [smem:$0x3FAC];
	_ =	sdelay $0x3  }
0x36: {  	p1 =	seq.s32 s10, $0x1;
	s10 =	sld [smem:$0x3FAD];
	_ =	sdelay $0x3  }
0x37: {  	[smem:$0x3FAD] =	sst s10  }
0x38: {  	s10 =	sld [smem:$0x3FAE]  }
0x39: {  	_ = 	snop;
	(pc) =	sbr.ind lr, $3  }
0x3a: {  	_ = 	snop  }
0x3b: {  	_ = 	snop  }
0x3c: {  	p2 =	seq.s32 s10, $0x1;
	s10 =	sld [smem:$0x3FAD]  }
0x3d: {  	_ =	shalt  }
0x3e: {  	_ =	shalt  }
0x3f: {  	_ =	shalt  }
0x40: {  	_ =	shalt  }
0x41: {  	_ =	shalt  }
0x42: {  	_ =	shalt  }
0x43: {  	_ =	shalt  }
0x44: {  	_ =	shalt  }
0x45: {  	_ =	shalt  }
0x46: {  	_ =	shalt  }
0x47: {  	_ =	shalt  }
0x48: {  	_ =	shalt  }
0x49: {  	_ =	shalt  }
0x4a: {  	_ =	shalt  }
0x4b: {  	_ =	shalt  }
0x4c: {  	_ =	shalt  }
0x4d: {  	_ =	shalt  }
0x4e: {  	_ =	shalt  }
0x4f: {  	_ =	shalt  }
0x50: {  	_ =	shalt  }
0x51: {  	_ =	shalt  }
0x52: {  	_ =	shalt  }
0x53: {  	_ =	shalt  }
0x54: {  	_ =	shalt  }
0x55: {  	_ =	shalt  }
0x56: {  	_ =	shalt  }
0x57: {  	_ =	shalt  }
0x58: {  	_ =	shalt  }
0x59: {  	_ =	shalt  }
0x5a: {  	_ =	shalt  }
0x5b: {  	_ =	shalt  }
0x5c: {  	_ =	shalt  }
0x5d: {  	_ =	shalt  }
0x5e: {  	_ =	shalt  }
0x5f: {  	_ =	shalt  }
0x60: {  	_ =	shalt  }
0x61: {  	_ =	shalt  }
0x62: {  	_ =	shalt  }
0x63: {  	_ =	shalt  }
0x64: {  	_ =	shalt  }
0x65: {  	_ =	shalt  }
0x66: {  	_ =	shalt  }
0x67: {  	_ =	shalt  }
0x68: {  	_ =	shalt  }
0x69: {  	_ =	shalt  }
0x6a: {  	_ =	shalt  }
0x6b: {  	_ =	shalt  }
0x6c: {  	_ =	shalt  }
0x6d: {  	_ =	shalt  }
0x6e: {  	_ =	shalt  }
0x6f: {  	_ =	shalt  }
0x70: {  	_ =	shalt  }
0x71: {  	_ =	shalt  }
0x72: {  	_ =	shalt  }
0x73: {  	_ =	shalt  }
0x74: {  	_ =	shalt  }
0x75: {  	_ =	shalt  }
0x76: {  	_ =	shalt  }
0x77: {  	_ =	shalt  }
0x78: {  	_ =	shalt  }
0x79: {  	_ =	shalt  }
0x7a: {  	_ =	shalt  }
0x7b: {  	_ =	shalt  }
0x7c: {  	_ =	shalt  }
0x7d: {  	_ =	shalt  }
0x7e: {  	_ =	shalt  }
0x7f: {  	_ =	shalt  }
0x80: {  	_ =	shalt  }
0x81: {  	_ =	shalt  }
0x82: {  	_ =	shalt  }
0x83: {  	_ =	shalt  }
0x84: {  	_ =	shalt  }
0x85: {  	_ =	shalt  }
0x86: {  	_ =	shalt  }
0x87: {  	_ =	shalt  }
.Lfunc_end0:
.L_simem_size_0:
called_computation_lowered:
.L_overlay_start_0:
0x88: {  	s2 =	sld [smem:$0x3FD9]  }
0x89: {  	s3 =	sld [smem:$0x3FFE];
	_ =	sdelay $0x1  }
0x8a: {  	s1 =	srdreg.scid  }
0x8b: {  	s0 =	sand.u32 $0x1, s1  }
0x8c: {  	s17 =	sshll.u32 s0, $0xA;
	s2 =	sadd.s32 s3, s2  }
0x8d: {  	s2 =	sadd.s32 s2, s17  }
0x8e: {  	[smem:$0x3FB9] =	sst s2  }
0x8f: {  	_ = 	snop  }
0x90: {  	s2 =	sld [smem:$0x3FC5];
	(tm) =	ssettm $0x1  }
0x91: {  	s18 =	sld [smem:$0x3FFB];
	_ =	sdelay $0x3  }
0x92: {  	_ =	strace s18  }
0x93: {  	s3 =	sld [smem:$0x3FFC];
	_ =	sdelay $0x3  }
0x94: {  	_ =	strace s3  }
0x95: {  	s3 =	sld [smem:$0x3FFD];
	_ =	sdelay $0x3  }
0x96: {  	_ =	strace s3  }
0x97: {  	_ =	strace $0x8FFFFFFF  }
0x98: {  	s19 =	sld [smem:$0x3FDB];
	_ =	sdelay $0x1  }
0x99: {  	s4 =	simm.s32 $_scs_section_size  }
0x9a: {  	s5 =	simm.s32 $_size__tile_overlayer_lowered;
	s6 =	simm.s32 $_tile_overlayer_lowered  }
0x9b: {  	s22 =	simm.s32 $0x1BFF;
	s21 =	sshll.u32 s6, $0x1;
	s3 =	sadd.s32 s4, s19  }
0x9c: {  	s7 =	simm.s32 $0x0;
	s20 =	sshll.u32 s5, $0x1;
	s5 =	sadd.s32 s21, s3  }
0x9d: {  	[timem:s7], [sflag:s22] =	dma.local [hbm:s5], s20  }
0x9e: {  	_ =	swait.ge [sflag:s22], s20  }
0x9f: {  	s4 =	ssub.s32 $0x0, s20;
	[sflag:s22] =	ssyncset.done $0x0  }
0xa0: {  	[sflag:s22] =	ssyncadd.s32 s4;
	_ =	sdelay $0x1  }
0xa1: {  	s23 =	simm.s32 $0x1B8B  }
0xa2: {  	_ =	swait.ge [sflag:s23], $0x1  }
0xa3: {  	[sflag:s23] =	ssyncset.done $0x0  }
0xa4: {  	s25 =	simm.s32 $0x1B8E;
	s24 =	sld [smem:$0x3FFE];
	[sflag:s23] =	ssyncadd.s32 $0xFFFFFFFF  }
0xa5: {  	s26 =	simm.s32 $execute0_lowered;
	[smem:$0x3FD2] =	sst s25  }
0xa6: {  	s5 =	sshll.u32 s26, $0x1;
	_ =	strace $0x80000046;
	[dreg:$0x1] =	wrdreg $0xFFFFFFFF  }
0xa7: {  	s28 =	simm.s32 $_size_execute0_lowered;
	s3 =	sadd.s32 s3, s5;
	[dreg:$0x0] =	wrdreg $0x0  }
0xa8: {  	s5 =	sshll.u32 s28, $0x1;
	[dreg:$0x2] =	wrdreg s3  }
0xa9: {  	[dreg:$0x3] =	wrdreg s5  }
0xaa: {  	[dreg:$0x4] =	wrdreg $0xC0  }
0xab: {  	_ =	task [dreg:s7], $0x5FFFF  }
0xac: {  	[dreg:$0x1] =	wrdreg $0xFFFFFFFF  }
0xad: {  	[dreg:$0x0] =	wrdreg $0x60  }
0xae: {  	[dreg:$0x2] =	wrdreg s24  }
0xaf: {  	[dreg:$0x3] =	wrdreg s2  }
0xb0: {  	[dreg:$0x4] =	wrdreg $0x9  }
0xb1: {  	_ =	task.clear_ibuf [dreg:s7], $0x5FFFF;
	_ =	strace $0x90000046  }
0xb2: {  	s29 =	simm.s32 $0x9;
	_ =	strace $0x80000048  }
0xb3: {  	_ =	swait.ge [sflag:s29], $0x1  }
0xb4: {  	[sflag:s29] =	ssyncadd.s32 $0xFFFFFFFF  }
0xb5: {  	_ =	strace $0x90000048  }
0xb6: {  	_ =	sfence  }
0xb7: {  	s30 =	sld [smem:$0x0];
	_ =	sdelay $0x2  }
0xb8: {  	s31 =	sshll.u32 s1, $0xD;
	s1 =	sshrl.u32 s1, $0x2  }
0xb9: {  	s3 =	sand.u32 $0x4000, s31;
	s1 =	sadd.s32 s1, s30  }
0xba: {  	s0 =	sor.u32 s3, s0;
	s1 =	sshll.u32 s1, $0x11  }
0xbb: {  	s0 =	sor.u32 s1, s0  }
0xbc: {  	s0 =	sadd.s32 $0x8F2B, s0  }
0xbd: {  	[sflag:s0] =	ssyncadd.remote.s32 $0x1  }
0xbe: {  	_ =	sfence.sel $0xFFFF  }
0xbf: {  	[dreg:$0x0] =	wrdreg $0xFFFFFFFF;
	(pc) =	sbr.abs _section_cstart, $3  }
0xc0: {  	[dreg:$0x1] =	wrdreg $0xFFFFFFFF  }
0xc1: {  	_ =	task.clear_ibuf [dreg:s7], $0x2FFFF;
	_ =	strace $0x9FFFFFFF  }
0xc2: {  	(tm) =	ssettm $0x7FFFFFFF  }
0xc3: {  	_ =	shalt  }
tec
execute0_lowered:
.L_overlay_start_1:
0x0: {  	(tag) =	ssettag $0x1  }
0x1: {  	s1 =	srdreg.scid  }
0x2: {  	s0 =	stileid.u32;
	s3 =	rddreg [dreg:$0x0]  }
0x3: {  	s5 =	rddreg [dreg:$0x1];
	s2 =	simm.s32 $0x0;
	s9 =	simm.s32 $0x2780  }
0x4: {  	s10 =	simm.s32 $0x9E00;
	s4 =	sand.u32 $0x1, s1;
	s31 =	sshll.u32 s0, $0x1  }
0x5: {  	s11 =	simm.s32 $0x7680;
	s12 =	simm.s32 $0x4F00;
	s6 =	sor.u32 s4, s31  }
0x6: {  	s1 =	rddreg [dreg:$0x2];
	s4 =	ssub.s32 $0x2, s4;
	s6 =	smul.u32 $0x4E2, s6  }
0x7: {  	s13 =	simm.s32 $0x0;
	[smem:$0x7FF] =	sst s2;
	s8 =	sshrl.u32 s4, $0x1  }
0x8: {  	_ =	strace $0x80000047;
	s8 =	ssub.s32 s4, s8;
	s7 =	sadd.s32 s6, s3  }
0x9: {  	s3 =	sadd.s32 $0x9CF800, s3;
	s5 =	sadd.s32 s5, s6;
	s4 =	sadd.s32 $0x9C5A00, s7  }
0xa: {  	s6 =	sadd.s32 $0x9CFA00, s7;
	s7 =	smax.u32 s8, $0x1;
	s8 =	simm.s32 $0x1  }
.LBB2_1:
0xb: {  	[tilespmem:s2], [sflag:$0x1] =	stream.linear.gather [hbm4b:s4+s2], $0x2710, $0x38;
	[tilespmem:$0x9E80] =	vst v63  }
0xc: {  	_ =	swait.ge [sflag:s8], $0x2710  }
0xd: {  	[sflag:s8] =	ssyncset.done $0x0  }
0xe: {  	[sflag:s8] =	ssyncadd.s32 $0xFFFFD8F0  }
0xf: {  	[tilespmem:s9], [sflag:$0x1] =	stream.linear.gather [hbm4b:s5+s2], $0x2710, $0x38;
	[tilespmem:$0x9E80] =	vst v63  }
0x10: {  	_ =	swait.ge [sflag:s8], $0x2710  }
0x11: {  	[sflag:s8] =	ssyncset.done $0x0  }
0x12: {  	[sflag:s8] =	ssyncadd.s32 $0xFFFFD8F0  }
0x13: {  	[tilespmem:s10], [sflag:$0x1] =	stream.linear.gather [hbm4b:s3+s2], $0x80, $0x38;
	[tilespmem:$0x9E80] =	vst v63  }
0x14: {  	_ =	swait.ge [sflag:s8], $0x80  }
0x15: {  	[sflag:s8] =	ssyncset.done $0x0  }
0x16: {  	[sflag:s8] =	ssyncadd.s32 $0xFFFFFF80  }
0x17: {  	[tilespmem:s11], [sflag:$0x1] =	stream.linear.gather [hbm4b:s4+s2], $0x2710, $0x38;
	[tilespmem:$0x9E80] =	vst v63  }
0x18: {  	_ =	swait.ge [sflag:s8], $0x2710  }
0x19: {  	[sflag:s8] =	ssyncset.done $0x0  }
0x1a: {  	[sflag:s8] =	ssyncadd.s32 $0xFFFFD8F0  }
0x1b: {  	s14 =	simm.s32 $0x0;
	v0 =	vld [tilespmem:$0x9E00]  }
0x1c: {  	v1 =	vld [tilespmem:s14+$0x0]  }
0x1d: {  	s15 =	simm.s32 $0x10  }
0x1e: {  	v2 =	vld [tilespmem:s15+$0x0]  }
0x1f: {  	v3 =	vld [tilespmem:s14+$0x7680];
	_ =	sdelay $0x1  }
0x20: {  	v1 =	vsub.f32 v1, v0  }
0x21: {  	v4 =	vld [tilespmem:s15+$0x7680]  }
0x22: {  	v1 =	vmul.f32 $1.442695020e+00, v1  }
0x23: {  	v2 =	vsub.f32 v2, v0;
	(erf) = vrcp.f32 v3  }
0x24: {  	(erf) = vpow2.f32 v1  }
0x25: {  	v3 =	vmul.f32 $1.442695020e+00, v2  }
0x26: {  	s16 =	simm.s32 $0x20;
	(erf) = vrcp.f32 v4  }
0x27: {  	v1 =	vld [tilespmem:s16+$0x0];
	(erf) = vpow2.f32 v3;
	_ =	sdelay $0x2  }
0x28: {  	s17 =	simm.s32 $0xC0;
	v2 =	vld [tilespmem:s16+$0x7680]  }
.LBB2_2:
0x29: {  	p0 =	sne.s32 s17, $0x9C00  }
.Ltmp0:
0x2a: {  	s18 =	sshra.s32 s17, $0x2;
	s17 =	sadd.s32 $0x40, s17;
	v4 =	vpop (erf);
	v3 =	vsub.f32 v1, v0;
	(pc) =	sbr.rel @p0 .LBB2_2-.Ltmp0, $4  }
0x2b: {  	v1 =	vld [tilespmem:s18+$0x0];
	v5 =	vpop (erf)  }
0x2c: {  	v3 =	vmul.f32 $1.442695020e+00, v3;
	v4 =	vmul.f32 v5, v4  }
0x2d: {  	(erf) = vrcp.f32 v2  }
0x2e: {  	v2 =	vld [tilespmem:s18+$0x7680];
	(erf) = vpow2.f32 v3;
	[tilespmem:s14+$0x4F00] =	vst v4;
	s14 =	smov.u32 s15;
	s15 =	smov.u32 s16;
	s16 =	smov.u32 s18  }
0x2f: {  	_ = 	snop  }
0x30: {  	v0 =	vsub.f32 v1, v0;
	_ =	sdelay $0x1  }
0x31: {  	v0 =	vmul.f32 $1.442695020e+00, v0  }
0x32: {  	(erf) = vrcp.f32 v2  }
0x33: {  	(erf) = vpow2.f32 v0;
	_ =	sdelay $0x3  }
0x34: {  	v58 =	vpop (erf)  }
0x35: {  	v59 =	vpop (erf)  }
0x36: {  	v60 =	vpop (erf)  }
0x37: {  	v3 =	vpop (erf)  }
0x38: {  	v0 =	vmul.f32 v59, v58;
	v61 =	vpop (erf)  }
0x39: {  	v2 =	vmul.f32 v3, v60;
	v62 =	vpop (erf)  }
0x3a: {  	s13 =	sadd.s32 $0x1, s13;
	[tilespmem:s14+$0x4F00] =	vst v0;
	v63 =	vmul.f32 v62, v61  }
0x3b: {  	p0 =	sne.s32 s13, s7;
	[tilespmem:s15+$0x4F00] =	vst v2  }
.Ltmp1:
0x3c: {  	[tilespmem:s16+$0x4F00] =	vst v63;
	(pc) =	sbr.rel @p0 .LBB2_1-.Ltmp1, $4  }
0x3d: {  	[hbm4b:s6+s2] =	stream.linear.scatter [tilespmem:s12], [sflag:$0x1], $0x2710, $0x38;
	[tilespmem:$0x9E80] =	vst v63  }
0x3e: {  	_ =	swait.ge [sflag:s8], $0x2710  }
0x3f: {  	[sflag:s8] =	ssyncset.done $0x0  }
0x40: {  	[sflag:s8] =	ssyncadd.s32 $0xFFFFD8F0  }
0x41: {  	_ =	sfence.sel $0x180000  }
0x42: {  	[bflag:$0x0] =	sbarrier.arrive $0xFFFF  }
0x43: {  	p0 =	sne.s32 s0, $0x0;
	_ =	strace $0x90000047  }
0x44: {  	s0 =	sadd.s32 @!p0 $0x100000, s1;
	[bflag:$0x2] =	sbarrier.arrive $0xFFFF  }
0x45: {  	[sflag:s0] =	ssyncadd.tile.s32 @!p0 $0x1;
	_ =	shalt  }
.Lfunc_end2:
_tile_overlayer_lowered:
.L_overlay_start_2:
0x46: {  	(tag) =	ssettag $0x2  }
0x47: {  	s0 =	rddreg [dreg:$0x0];
	s2 =	stileid.u32  }
0x48: {  	s1 =	rddreg [dreg:$0x1];
	p0 =	sne.s32 s2, $0x0  }
0x49: {  	s3 =	rddreg [dreg:$0x2];
	[bflag:$0x3] =	sbarrier.arrive $0xFFFF;
	s2 =	simm.s32 @!p0 $0x1C01  }
0x4a: {  	[timem:s3], [sflag:s2] =	dma.local @!p0 [hbm:s0], s1  }
0x4b: {  	s0 =	simm.s32 @!p0 $0x1  }
0x4c: {  	_ =	swait.ge @!p0 [sflag:s0], s1  }
0x4d: {  	s1 =	ssub.s32 @!p0 $0x0, s1;
	[sflag:s0] =	ssyncset.done @!p0 $0x0  }
0x4e: {  	[sflag:s0] =	ssyncadd.s32 @!p0 s1  }
0x4f: {  	[bflag:$0x3] =	sbarrier.arrive $0xFFFF  }
0x50: {  	_ =	shalt  }

</sc_bundles>
